<compile_context>
chip_gen: v7x
topology: tpu7x:2x2x1
jax: 0.10.2.dev20260603
libtpu: 0.0.44.dev20260713+nightly
codegen_flags: <defaults>
</compile_context>

<pallas_src>
import functools

import jax
import jax.numpy as jnp
from jax import lax
from jax.experimental import pallas as pl
from jax.experimental.pallas import tpu as pltpu
from jax.experimental.pallas import tpu_sc as plsc

_LBLK = 8192


def _transpose_pack_body(x0_ref, x1_ref, x2_ref, x3_ref, eye_ref, out_ref):
    X = jnp.concatenate(
        [x0_ref[...], x1_ref[...], x2_ref[...], x3_ref[...]], axis=0)
    out_ref[...] = lax.dot_general(
        X, eye_ref[...], (((0,), (0,)), ((), ())),
        preferred_element_type=jnp.float32)


def _make_sc_gather(B, b_per_w, NC):
    mesh = plsc.VectorSubcoreMesh(core_axis_name="c", subcore_axis_name="s")

    @functools.partial(
        pl.kernel,
        mesh=mesh,
        compiler_params=pltpu.CompilerParams(
            needs_layout_passes=False, use_tc_tiling_on_sc=True),
        out_type=jax.ShapeDtypeStruct((B, 128), jnp.float32),
        scratch_types=[
            pltpu.VMEM((b_per_w,), jnp.int32),
            pltpu.VMEM((b_per_w, 128), jnp.float32),
            pltpu.SemaphoreType.DMA,
        ],
    )
    def sc_gather(table_hbm, idx_hbm, out_hbm, idx_v, rows_v, sem):
        wid = lax.axis_index("s") * NC + lax.axis_index("c")
        base = wid * b_per_w
        pltpu.sync_copy(idx_hbm.at[pl.ds(base, b_per_w)], idx_v)
        pltpu.async_copy(table_hbm.at[idx_v], rows_v, sem).wait()
        pltpu.sync_copy(rows_v, out_hbm.at[pl.ds(base, b_per_w)])

    return sc_gather


def _tower_body(x_ref, mv4_ref, off_ref, w1_ref, b1_ref, w2_ref, b2_ref,
                w3s_ref, w3b_ref, b3_ref, w4_ref, b4_ref, out_ref):
    h = jnp.maximum(
        jnp.dot(x_ref[...], w1_ref[...], preferred_element_type=jnp.float32)
        + b1_ref[...], 0.0)
    cv = jnp.dot(h, w2_ref[...], preferred_element_type=jnp.float32) + b2_ref[...]
    seg = lax.broadcasted_iota(jnp.int32, mv4_ref.shape, 1) // 32
    mv4m = jnp.where(seg == off_ref[...], mv4_ref[...], 0.0)
    h2 = jnp.maximum(
        jnp.dot(mv4m, w3s_ref[...], preferred_element_type=jnp.float32)
        + jnp.dot(cv, w3b_ref[...], preferred_element_type=jnp.float32)
        + b3_ref[...], 0.0)
    out_ref[...] = (
        lax.dot_general(w4_ref[...], h2, (((0,), (1,)), ((), ())),
                        preferred_element_type=jnp.float32)
        + b4_ref[...])


def kernel(movie_ids, content_features, embed_table, W1, b1, W2, b2, W3, b3, W4, b4):
    B, NC_FEAT = content_features.shape
    V, D = embed_table.shape
    H1 = W1.shape[1]
    H2 = W2.shape[1]
    H3 = W3.shape[1]
    OUT = W4.shape[1]
    PACK = 128 // D

    info = plsc.get_sparse_core_info()
    NW = info.num_cores * info.num_subcores
    b_per_w = B // NW

    rblk = 8192
    nblk = -(-(V // PACK) // rblk)
    V4 = nblk * rblk
    ids = movie_ids.astype(jnp.int32)
    idx4 = ids % V4
    off = (ids // V4).reshape(B, 1)
    xmax = (V - 1) // rblk

    def _xmap(a):
        return lambda i: (0, jnp.minimum(i + a * nblk, xmax))

    table4 = pl.pallas_call(
        _transpose_pack_body,
        grid=(nblk,),
        in_specs=[
            pl.BlockSpec((D, rblk), _xmap(0)),
            pl.BlockSpec((D, rblk), _xmap(1)),
            pl.BlockSpec((D, rblk), _xmap(2)),
            pl.BlockSpec((D, rblk), _xmap(3)),
            pl.BlockSpec((128, 128), lambda i: (0, 0)),
        ],
        out_specs=pl.BlockSpec((rblk, 128), lambda i: (i, 0)),
        out_shape=jax.ShapeDtypeStruct((V4, 128), jnp.float32),
    )(embed_table.T, embed_table.T, embed_table.T, embed_table.T,
      jnp.eye(128, dtype=jnp.float32))

    mv4 = _make_sc_gather(B, b_per_w, info.num_cores)(table4, idx4)

    W3s = jnp.tile(W3[:D], (PACK, 1))
    W3b = W3[D:]

    BLK = 4096
    grid = (B // BLK,)

    out = pl.pallas_call(
        _tower_body,
        grid=grid,
        in_specs=[
            pl.BlockSpec((BLK, NC_FEAT), lambda i: (i, 0)),
            pl.BlockSpec((BLK, 128), lambda i: (i, 0)),
            pl.BlockSpec((BLK, 1), lambda i: (i, 0)),
            pl.BlockSpec((NC_FEAT, H1), lambda i: (0, 0)),
            pl.BlockSpec((1, H1), lambda i: (0, 0)),
            pl.BlockSpec((H1, H2), lambda i: (0, 0)),
            pl.BlockSpec((1, H2), lambda i: (0, 0)),
            pl.BlockSpec((128, H3), lambda i: (0, 0)),
            pl.BlockSpec((H2, H3), lambda i: (0, 0)),
            pl.BlockSpec((1, H3), lambda i: (0, 0)),
            pl.BlockSpec((H3, OUT), lambda i: (0, 0)),
            pl.BlockSpec((OUT, 1), lambda i: (0, 0)),
        ],
        out_specs=pl.BlockSpec((OUT, BLK), lambda i: (0, i)),
        out_shape=jax.ShapeDtypeStruct((OUT, B), jnp.float32),
    )(content_features, mv4, off, W1, b1.reshape(1, H1), W2, b2.reshape(1, H2),
      W3s, W3b, b3.reshape(1, H3), W4, b4.reshape(OUT, 1))
    return out.T

# --- scband reference (transcript-rebuilt; emitter-appended) ---
"""Pipeline reference for scband-item-tower-944892805580 (READ-ONLY COPY).

The authoritative reference and input builder live on the scoring server;
editing this copy changes nothing except your own understanding.
"""

import jax, jax.numpy as jnp
import numpy as np

N_MOVIES = 1000000
N_CONTENT = 128
EMBED_DIM = 32
OUTPUT_DIM = 64
BATCH = 16384


def setup_inputs(seed: int = 0) -> dict:
    key = jax.random.key(seed)
    ks = jax.random.split(key, 12)
    movie_ids = jax.random.randint(ks[0], (BATCH,), 0, N_MOVIES, dtype=jnp.int64 if jax.config.jax_enable_x64 else jnp.int32)
    content_features = jax.random.normal(ks[1], (BATCH, N_CONTENT), dtype=jnp.float32)
    embed_table = jax.random.normal(ks[2], (N_MOVIES, EMBED_DIM), dtype=jnp.float32) * 0.02
    # content_mlp: Linear(N_CONTENT, 128) -> ReLU -> Linear(128, 64)
    W1 = jax.random.normal(ks[3], (N_CONTENT, 128), dtype=jnp.float32) * (1.0 / np.sqrt(N_CONTENT))
    b1 = jnp.zeros((128,), dtype=jnp.float32)
    W2 = jax.random.normal(ks[4], (128, 64), dtype=jnp.float32) * (1.0 / np.sqrt(128))
    b2 = jnp.zeros((64,), dtype=jnp.float32)
    # final_mlp: Linear(EMBED_DIM + 64, 128) -> ReLU -> Linear(128, OUTPUT_DIM)
    W3 = jax.random.normal(ks[5], (EMBED_DIM + 64, 128), dtype=jnp.float32) * (1.0 / np.sqrt(EMBED_DIM + 64))
    b3 = jnp.zeros((128,), dtype=jnp.float32)
    W4 = jax.random.normal(ks[6], (128, OUTPUT_DIM), dtype=jnp.float32) * (1.0 / np.sqrt(128))
    b4 = jnp.zeros((OUTPUT_DIM,), dtype=jnp.float32)
    return {
        "movie_ids": movie_ids,
        "content_features": content_features,
        "embed_table": embed_table,
        "W1": W1, "b1": b1, "W2": W2, "b2": b2,
        "W3": W3, "b3": b3, "W4": W4, "b4": b4,
    }


def reference(movie_ids, content_features, embed_table, W1, b1, W2, b2, W3, b3, W4, b4):
    movie_vector = jnp.take(embed_table, movie_ids, axis=0)  # (B, EMBED_DIM)
    h = jax.nn.relu(content_features @ W1 + b1)
    content_vector = h @ W2 + b2  # (B, 64)
    combined = jnp.concatenate([movie_vector, content_vector], axis=1)  # (B, EMBED_DIM+64)
    h2 = jax.nn.relu(combined @ W3 + b3)
    output_vector = h2 @ W4 + b4  # (B, OUTPUT_DIM)
    return output_vector

if __name__ == "__main__":
    import jax
    _d = setup_inputs()
    print(jax.jit(kernel)(*tuple(_d.values())))

</pallas_src>

<mosaic_0001>
#map = affine_map<(d0, d1) -> (0, 0)>
#map1 = affine_map<(d0, d1) -> (0)>
module attributes {stable_mosaic.version = 14 : i64} {
  func.func @sc_gather(%arg0: i32, %arg1: i32, %arg2: memref<253952x128xf32, #tpu.memory_space<hbm>>, %arg3: memref<16384xi32, #tpu.memory_space<hbm>>, %arg4: memref<16384x128xf32, #tpu.memory_space<hbm>>, %arg5: memref<512xi32, #tpu.memory_space<vmem>>, %arg6: memref<512x128xf32, #tpu.memory_space<vmem>>, %arg7: memref<!tpu.dma_semaphore, #tpu.memory_space<semaphore_mem>>) attributes {dimension_semantics = [#tpu.dimension_semantics<core_parallel>, #tpu.dimension_semantics<subcore_parallel>], iteration_bounds = array<i64: 2, 16>, scalar_prefetch = 0 : i64, scratch_operands = 3 : i64, tpu.core_type = #tpu.core_type<sc_vector_subcore>, window_params = [{transform_indices = #map}, {transform_indices = #map1}, {transform_indices = #map}]} {
    %mul3A = arith.constant 2 : i32
    %mul3A_0 = arith.muli %arg1, %mul3A : i32
    %add3A = arith.addi %mul3A_0, %arg0 : i32
    %mul3A_1 = arith.constant 512 : i32
    %mul3A_2 = arith.muli %add3A, %mul3A_1 : i32
    "tpu.region"() ({
      %run_scoped3A = tpu.sem_alloc : memref<!tpu.dma_semaphore, #tpu.memory_space<semaphore_mem>>
      %dma_start3A_7 = tpu.memref_slice %arg3[%mul3A_2] : memref<16384xi32, #tpu.memory_space<hbm>> -> memref<512xi32, #tpu.memory_space<hbm>>
      %dma_start3A_8 = tpu.memref_slice %arg3[%mul3A_2] : memref<16384xi32, #tpu.memory_space<hbm>> -> memref<512xi32, #tpu.memory_space<hbm>>
      tpu.enqueue_dma source(%dma_start3A_8 : memref<512xi32, #tpu.memory_space<hbm>>) target(%arg5 : memref<512xi32, #tpu.memory_space<vmem>>) target_semaphore(%run_scoped3A : memref<!tpu.dma_semaphore, #tpu.memory_space<semaphore_mem>>)
      %dma_wait3A_9 = tpu.memref_slice %arg3[%mul3A_2] : memref<16384xi32, #tpu.memory_space<hbm>> -> memref<512xi32, #tpu.memory_space<hbm>>
      %dma_wait3A_10 = tpu.memref_slice %arg3[%mul3A_2] : memref<16384xi32, #tpu.memory_space<hbm>> -> memref<512xi32, #tpu.memory_space<hbm>>
      tpu.wait_dma2 semaphore(%run_scoped3A : memref<!tpu.dma_semaphore, #tpu.memory_space<semaphore_mem>>) src(%dma_wait3A_10 : memref<512xi32, #tpu.memory_space<hbm>>) dst(%arg5 : memref<512xi32, #tpu.memory_space<vmem>>)
      tpu.yield
    }) : () -> ()
    %dma_start3A = arith.constant 0 : i32
    %dma_start3A_3 = arith.constant 0 : i32
    %dma_start3A_4 = tpu.memref_slice %arg2[%dma_start3A, %dma_start3A_3] : memref<253952x128xf32, #tpu.memory_space<hbm>> -> memref<253952x128xf32, #tpu.memory_space<hbm>>
    tpu.enqueue_indirect_dma source(%dma_start3A_4 : memref<253952x128xf32, #tpu.memory_space<hbm>>) target(%arg6 : memref<512x128xf32, #tpu.memory_space<vmem>>) offsets(%arg5 : memref<512xi32, #tpu.memory_space<vmem>>) semaphore(%arg7 : memref<!tpu.dma_semaphore, #tpu.memory_space<semaphore_mem>>)
    %dma_wait3A = arith.constant 0 : i32
    %dma_wait3A_5 = arith.constant 0 : i32
    %dma_wait3A_6 = tpu.memref_slice %arg2[%dma_wait3A, %dma_wait3A_5] : memref<253952x128xf32, #tpu.memory_space<hbm>> -> memref<253952x128xf32, #tpu.memory_space<hbm>>
    tpu.wait_indirect_dma semaphore(%arg7 : memref<!tpu.dma_semaphore, #tpu.memory_space<semaphore_mem>>) src(%dma_wait3A_6 : memref<253952x128xf32, #tpu.memory_space<hbm>>) dst(%arg6 : memref<512x128xf32, #tpu.memory_space<vmem>>)
    "tpu.region"() ({
      %run_scoped3A = tpu.sem_alloc : memref<!tpu.dma_semaphore, #tpu.memory_space<semaphore_mem>>
      %dma_start3A_7 = arith.constant 0 : i32
      %dma_start3A_8 = tpu.memref_slice %arg4[%mul3A_2, %dma_start3A_7] : memref<16384x128xf32, #tpu.memory_space<hbm>> -> memref<512x128xf32, #tpu.memory_space<hbm>>
      %dma_start3A_9 = arith.constant 0 : i32
      %dma_start3A_10 = tpu.memref_slice %arg4[%mul3A_2, %dma_start3A_9] : memref<16384x128xf32, #tpu.memory_space<hbm>> -> memref<512x128xf32, #tpu.memory_space<hbm>>
      tpu.enqueue_dma source(%arg6 : memref<512x128xf32, #tpu.memory_space<vmem>>) target(%dma_start3A_10 : memref<512x128xf32, #tpu.memory_space<hbm>>) target_semaphore(%run_scoped3A : memref<!tpu.dma_semaphore, #tpu.memory_space<semaphore_mem>>)
      %dma_wait3A_11 = arith.constant 0 : i32
      %dma_wait3A_12 = tpu.memref_slice %arg4[%mul3A_2, %dma_wait3A_11] : memref<16384x128xf32, #tpu.memory_space<hbm>> -> memref<512x128xf32, #tpu.memory_space<hbm>>
      %dma_wait3A_13 = arith.constant 0 : i32
      %dma_wait3A_14 = tpu.memref_slice %arg4[%mul3A_2, %dma_wait3A_13] : memref<16384x128xf32, #tpu.memory_space<hbm>> -> memref<512x128xf32, #tpu.memory_space<hbm>>
      tpu.wait_dma2 semaphore(%run_scoped3A : memref<!tpu.dma_semaphore, #tpu.memory_space<semaphore_mem>>) src(%arg6 : memref<512x128xf32, #tpu.memory_space<vmem>>) dst(%dma_wait3A_14 : memref<512x128xf32, #tpu.memory_space<hbm>>)
      tpu.yield
    }) : () -> ()
    return
  }
}

module attributes {stable_mosaic.version = 14 : i64} {
  func.func @_transpose_pack_body(%arg0: i32, %arg1: memref<32x8192xf32, #tpu.memory_space<vmem>>, %arg2: memref<32x8192xf32, #tpu.memory_space<vmem>>, %arg3: memref<32x8192xf32, #tpu.memory_space<vmem>>, %arg4: memref<32x8192xf32, #tpu.memory_space<vmem>>, %arg5: memref<128x128xf32, #tpu.memory_space<vmem>>, %arg6: memref<8192x128xf32, #tpu.memory_space<vmem>>) attributes {dimension_semantics = [#tpu.dimension_semantics<arbitrary>], iteration_bounds = array<i64: 31>, scalar_prefetch = 0 : i64, scratch_operands = 0 : i64, tpu.core_type = #tpu.core_type<tc>, window_params = [{transform_indices = @transform_0, window_bounds = array<i64: 32, 8192>}, {transform_indices = @transform_1, window_bounds = array<i64: 32, 8192>}, {transform_indices = @transform_2, window_bounds = array<i64: 32, 8192>}, {transform_indices = @transform_3, window_bounds = array<i64: 32, 8192>}, {pipeline_mode = #tpu.pipeline_mode<synchronous>, transform_indices = @transform_4, window_bounds = array<i64: 128, 128>}, {transform_indices = @transform_5, window_bounds = array<i64: 8192, 128>}]} {
    %get3A = arith.constant 0 : index
    %get3A_0 = arith.constant 0 : index
    %get3A_1 = vector.load %arg1[%get3A, %get3A_0] : memref<32x8192xf32, #tpu.memory_space<vmem>>, vector<32x8192xf32>
    %get3A_2 = arith.constant 0 : index
    %get3A_3 = arith.constant 0 : index
    %get3A_4 = vector.load %arg2[%get3A_2, %get3A_3] : memref<32x8192xf32, #tpu.memory_space<vmem>>, vector<32x8192xf32>
    %get3A_5 = arith.constant 0 : index
    %get3A_6 = arith.constant 0 : index
    %get3A_7 = vector.load %arg3[%get3A_5, %get3A_6] : memref<32x8192xf32, #tpu.memory_space<vmem>>, vector<32x8192xf32>
    %get3A_8 = arith.constant 0 : index
    %get3A_9 = arith.constant 0 : index
    %get3A_10 = vector.load %arg4[%get3A_8, %get3A_9] : memref<32x8192xf32, #tpu.memory_space<vmem>>, vector<32x8192xf32>
    %concatenate3A = tpu.concatenate %get3A_1, %get3A_4, %get3A_7, %get3A_10 in 0 : vector<32x8192xf32>, vector<32x8192xf32>, vector<32x8192xf32>, vector<32x8192xf32> -> vector<128x8192xf32>
    %get3A_11 = arith.constant 0 : index
    %get3A_12 = arith.constant 0 : index
    %get3A_13 = vector.load %arg5[%get3A_11, %get3A_12] : memref<128x128xf32, #tpu.memory_space<vmem>>, vector<128x128xf32>
    %dot_general3A = arith.constant dense<0.000000e+00> : vector<8192x128xf32>
    %dot_general3A_14 = tpu.matmul %concatenate3A, %get3A_13, %dot_general3A {dimension_numbers = #tpu.dot_dimension_numbers<[0], [0], [1], [1], [0, 1, 1, 1], [], []>, transpose_lhs_hint = false} : vector<128x8192xf32>, vector<128x128xf32>, vector<8192x128xf32> -> vector<8192x128xf32>
    %swap3A = arith.constant 0 : index
    %swap3A_15 = arith.constant 0 : index
    %swap3A_16 = vector.load %arg6[%swap3A, %swap3A_15] : memref<8192x128xf32, #tpu.memory_space<vmem>>, vector<8192x128xf32>
    tpu.vector_store %arg6[%swap3A, %swap3A_15], %dot_general3A_14 {strides = array<i32>} : memref<8192x128xf32, #tpu.memory_space<vmem>>, vector<8192x128xf32>,
    return
  }
  func.func @transform_0(%arg0: i32) -> (i32, i32) {
    %add3A = arith.constant 0 : i32
    %add3A_0 = arith.addi %arg0, %add3A : i32
    %min3A = arith.constant 122 : i32
    %min3A_1 = arith.minsi %add3A_0, %min3A : i32
    %c0_i32 = arith.constant 0 : i32
    %c0_i32_2 = arith.constant 0 : i32
    return %c0_i32, %min3A_1 : i32, i32
  }
  func.func @transform_1(%arg0: i32) -> (i32, i32) {
    %add3A = arith.constant 31 : i32
    %add3A_0 = arith.addi %arg0, %add3A : i32
    %min3A = arith.constant 122 : i32
    %min3A_1 = arith.minsi %add3A_0, %min3A : i32
    %c0_i32 = arith.constant 0 : i32
    %c0_i32_2 = arith.constant 0 : i32
    return %c0_i32, %min3A_1 : i32, i32
  }
  func.func @transform_2(%arg0: i32) -> (i32, i32) {
    %add3A = arith.constant 62 : i32
    %add3A_0 = arith.addi %arg0, %add3A : i32
    %min3A = arith.constant 122 : i32
    %min3A_1 = arith.minsi %add3A_0, %min3A : i32
    %c0_i32 = arith.constant 0 : i32
    %c0_i32_2 = arith.constant 0 : i32
    return %c0_i32, %min3A_1 : i32, i32
  }
  func.func @transform_3(%arg0: i32) -> (i32, i32) {
    %add3A = arith.constant 93 : i32
    %add3A_0 = arith.addi %arg0, %add3A : i32
    %min3A = arith.constant 122 : i32
    %min3A_1 = arith.minsi %add3A_0, %min3A : i32
    %c0_i32 = arith.constant 0 : i32
    %c0_i32_2 = arith.constant 0 : i32
    return %c0_i32, %min3A_1 : i32, i32
  }
  func.func @transform_4(%arg0: i32) -> (i32, i32) {
    %c0_i32 = arith.constant 0 : i32
    %c0_i32_0 = arith.constant 0 : i32
    %c0_i32_1 = arith.constant 0 : i32
    return %c0_i32, %c0_i32_0 : i32, i32
  }
  func.func @transform_5(%arg0: i32) -> (i32, i32) {
    %c0_i32 = arith.constant 0 : i32
    %c0_i32_0 = arith.constant 0 : i32
    return %arg0, %c0_i32 : i32, i32
  }
}

module attributes {stable_mosaic.version = 14 : i64} {
  func.func @_tower_body(%arg0: i32, %arg1: memref<4096x128xf32, #tpu.memory_space<vmem>>, %arg2: memref<4096x128xf32, #tpu.memory_space<vmem>>, %arg3: memref<4096x1xi32, #tpu.memory_space<vmem>>, %arg4: memref<128x128xf32, #tpu.memory_space<vmem>>, %arg5: memref<1x128xf32, #tpu.memory_space<vmem>>, %arg6: memref<128x64xf32, #tpu.memory_space<vmem>>, %arg7: memref<1x64xf32, #tpu.memory_space<vmem>>, %arg8: memref<128x128xf32, #tpu.memory_space<vmem>>, %arg9: memref<64x128xf32, #tpu.memory_space<vmem>>, %arg10: memref<1x128xf32, #tpu.memory_space<vmem>>, %arg11: memref<128x64xf32, #tpu.memory_space<vmem>>, %arg12: memref<64x1xf32, #tpu.memory_space<vmem>>, %arg13: memref<64x4096xf32, #tpu.memory_space<vmem>>) attributes {dimension_semantics = [#tpu.dimension_semantics<arbitrary>], iteration_bounds = array<i64: 4>, scalar_prefetch = 0 : i64, scratch_operands = 0 : i64, tpu.core_type = #tpu.core_type<tc>, window_params = [{transform_indices = @transform_0, window_bounds = array<i64: 4096, 128>}, {transform_indices = @transform_1, window_bounds = array<i64: 4096, 128>}, {transform_indices = @transform_2, window_bounds = array<i64: 4096, 1>}, {pipeline_mode = #tpu.pipeline_mode<synchronous>, transform_indices = @transform_3, window_bounds = array<i64: 128, 128>}, {pipeline_mode = #tpu.pipeline_mode<synchronous>, transform_indices = @transform_4, window_bounds = array<i64: 1, 128>}, {pipeline_mode = #tpu.pipeline_mode<synchronous>, transform_indices = @transform_5, window_bounds = array<i64: 128, 64>}, {pipeline_mode = #tpu.pipeline_mode<synchronous>, transform_indices = @transform_6, window_bounds = array<i64: 1, 64>}, {pipeline_mode = #tpu.pipeline_mode<synchronous>, transform_indices = @transform_7, window_bounds = array<i64: 128, 128>}, {pipeline_mode = #tpu.pipeline_mode<synchronous>, transform_indices = @transform_8, window_bounds = array<i64: 64, 128>}, {pipeline_mode = #tpu.pipeline_mode<synchronous>, transform_indices = @transform_9, window_bounds = array<i64: 1, 128>}, {pipeline_mode = #tpu.pipeline_mode<synchronous>, transform_indices = @transform_10, window_bounds = array<i64: 128, 64>}, {pipeline_mode = #tpu.pipeline_mode<synchronous>, transform_indices = @transform_11, window_bounds = array<i64: 64, 1>}, {transform_indices = @transform_12, window_bounds = array<i64: 64, 4096>}]} {
    %get3A = arith.constant 0 : index
    %get3A_0 = arith.constant 0 : index
    %get3A_1 = vector.load %arg1[%get3A, %get3A_0] : memref<4096x128xf32, #tpu.memory_space<vmem>>, vector<4096x128xf32>
    %get3A_2 = arith.constant 0 : index
    %get3A_3 = arith.constant 0 : index
    %get3A_4 = vector.load %arg4[%get3A_2, %get3A_3] : memref<128x128xf32, #tpu.memory_space<vmem>>, vector<128x128xf32>
    %dot_general3A = arith.constant dense<0.000000e+00> : vector<4096x128xf32>
    %dot_general3A_5 = tpu.matmul %get3A_1, %get3A_4, %dot_general3A {dimension_numbers = #tpu.dot_dimension_numbers<[1], [0], [0], [1], [0, 0, 1, 1], [], []>, transpose_lhs_hint = false} : vector<4096x128xf32>, vector<128x128xf32>, vector<4096x128xf32> -> vector<4096x128xf32>
    %get3A_6 = arith.constant 0 : index
    %get3A_7 = arith.constant 0 : index
    %get3A_8 = vector.load %arg5[%get3A_6, %get3A_7] : memref<1x128xf32, #tpu.memory_space<vmem>>, vector<1x128xf32>
    %add3A = vector.broadcast %get3A_8 : vector<1x128xf32> to vector<4096x128xf32>
    %add3A_9 = arith.addf %dot_general3A_5, %add3A : vector<4096x128xf32>
    %max3A = arith.constant 0.000000e+00 : f32
    %max3A_10 = vector.broadcast %max3A : f32 to vector<4096x128xf32>
    %max3A_11 = arith.maximumf %add3A_9, %max3A_10 : vector<4096x128xf32>
    %get3A_12 = arith.constant 0 : index
    %get3A_13 = arith.constant 0 : index
    %get3A_14 = vector.load %arg6[%get3A_12, %get3A_13] : memref<128x64xf32, #tpu.memory_space<vmem>>, vector<128x64xf32>
    %dot_general3A_15 = arith.constant dense<0.000000e+00> : vector<4096x64xf32>
    %dot_general3A_16 = tpu.matmul %max3A_11, %get3A_14, %dot_general3A_15 {dimension_numbers = #tpu.dot_dimension_numbers<[1], [0], [0], [1], [0, 0, 1, 1], [], []>, transpose_lhs_hint = false} : vector<4096x128xf32>, vector<128x64xf32>, vector<4096x64xf32> -> vector<4096x64xf32>
    %get3A_17 = arith.constant 0 : index
    %get3A_18 = arith.constant 0 : index
    %get3A_19 = vector.load %arg7[%get3A_17, %get3A_18] : memref<1x64xf32, #tpu.memory_space<vmem>>, vector<1x64xf32>
    %add3A_20 = vector.broadcast %get3A_19 : vector<1x64xf32> to vector<4096x64xf32>
    %add3A_21 = arith.addf %dot_general3A_16, %add3A_20 : vector<4096x64xf32>
    %iota3A = tpu.iota {dimensions = array<i32: 1>} : vector<4096x128xi32>
    %jit3A = arith.constant 32 : i32
    %div3A = vector.broadcast %jit3A : i32 to vector<4096x128xi32>
    %div3A_22 = arith.divsi %iota3A, %div3A : vector<4096x128xi32>
    %sign3A = arith.constant 0 : i32
    %sign3A_23 = vector.broadcast %sign3A : i32 to vector<4096x128xi32>
    %sign3A_24 = arith.cmpi sgt, %iota3A, %sign3A_23 : vector<4096x128xi32>
    %sign3A_25 = arith.extui %sign3A_24 : vector<4096x128xi1> to vector<4096x128xi32>
    %sign3A_26 = arith.constant 0 : i32
    %sign3A_27 = vector.broadcast %sign3A_26 : i32 to vector<4096x128xi32>
    %sign3A_28 = arith.cmpi slt, %iota3A, %sign3A_27 : vector<4096x128xi32>
    %sign3A_29 = arith.extui %sign3A_28 : vector<4096x128xi1> to vector<4096x128xi32>
    %sign3A_30 = arith.subi %sign3A_25, %sign3A_29 : vector<4096x128xi32>
    %sign3A_31 = arith.constant 0 : i32
    %sign3A_32 = arith.cmpi sgt, %jit3A, %sign3A_31 : i32
    %sign3A_33 = arith.extui %sign3A_32 : i1 to i32
    %sign3A_34 = arith.constant 0 : i32
    %sign3A_35 = arith.cmpi slt, %jit3A, %sign3A_34 : i32
    %sign3A_36 = arith.extui %sign3A_35 : i1 to i32
    %sign3A_37 = arith.subi %sign3A_33, %sign3A_36 : i32
    %ne3A = vector.broadcast %sign3A_37 : i32 to vector<4096x128xi32>
    %ne3A_38 = arith.cmpi ne, %sign3A_30, %ne3A : vector<4096x128xi32>
    %rem3A = vector.broadcast %jit3A : i32 to vector<4096x128xi32>
    %rem3A_39 = arith.remsi %iota3A, %rem3A : vector<4096x128xi32>
    %ne3A_40 = arith.constant 0 : i32
    %ne3A_41 = vector.broadcast %ne3A_40 : i32 to vector<4096x128xi32>
    %ne3A_42 = arith.cmpi ne, %rem3A_39, %ne3A_41 : vector<4096x128xi32>
    %and3A = arith.andi %ne3A_38, %ne3A_42 : vector<4096x128xi1>
    %sub3A = arith.constant 1 : i32
    %sub3A_43 = vector.broadcast %sub3A : i32 to vector<4096x128xi32>
    %sub3A_44 = arith.subi %div3A_22, %sub3A_43 : vector<4096x128xi32>
    %select_n3A = arith.select %and3A, %sub3A_44, %div3A_22 : vector<4096x128xi1>, vector<4096x128xi32>
    %get3A_45 = arith.constant 0 : index
    %get3A_46 = arith.constant 0 : index
    %get3A_47 = vector.load %arg3[%get3A_45, %get3A_46] : memref<4096x1xi32, #tpu.memory_space<vmem>>, vector<4096x1xi32>
    %eq3A = vector.broadcast %get3A_47 : vector<4096x1xi32> to vector<4096x128xi32>
    %eq3A_48 = arith.cmpi eq, %select_n3A, %eq3A : vector<4096x128xi32>
    %get3A_49 = arith.constant 0 : index
    %get3A_50 = arith.constant 0 : index
    %get3A_51 = vector.load %arg2[%get3A_49, %get3A_50] : memref<4096x128xf32, #tpu.memory_space<vmem>>, vector<4096x128xf32>
    %jit3A_52 = arith.constant 0.000000e+00 : f32
    %broadcast_in_dim3A = vector.broadcast %jit3A_52 : f32 to vector<4096x128xf32>
    %select_n3A_53 = arith.select %eq3A_48, %get3A_51, %broadcast_in_dim3A : vector<4096x128xi1>, vector<4096x128xf32>
    %get3A_54 = arith.constant 0 : index
    %get3A_55 = arith.constant 0 : index
    %get3A_56 = vector.load %arg8[%get3A_54, %get3A_55] : memref<128x128xf32, #tpu.memory_space<vmem>>, vector<128x128xf32>
    %dot_general3A_57 = arith.constant dense<0.000000e+00> : vector<4096x128xf32>
    %dot_general3A_58 = tpu.matmul %select_n3A_53, %get3A_56, %dot_general3A_57 {dimension_numbers = #tpu.dot_dimension_numbers<[1], [0], [0], [1], [0, 0, 1, 1], [], []>, transpose_lhs_hint = false} : vector<4096x128xf32>, vector<128x128xf32>, vector<4096x128xf32> -> vector<4096x128xf32>
    %get3A_59 = arith.constant 0 : index
    %get3A_60 = arith.constant 0 : index
    %get3A_61 = vector.load %arg9[%get3A_59, %get3A_60] : memref<64x128xf32, #tpu.memory_space<vmem>>, vector<64x128xf32>
    %dot_general3A_62 = arith.constant dense<0.000000e+00> : vector<4096x128xf32>
    %dot_general3A_63 = tpu.matmul %add3A_21, %get3A_61, %dot_general3A_62 {dimension_numbers = #tpu.dot_dimension_numbers<[1], [0], [0], [1], [0, 0, 1, 1], [], []>, transpose_lhs_hint = false} : vector<4096x64xf32>, vector<64x128xf32>, vector<4096x128xf32> -> vector<4096x128xf32>
    %add3A_64 = arith.addf %dot_general3A_58, %dot_general3A_63 : vector<4096x128xf32>
    %get3A_65 = arith.constant 0 : index
    %get3A_66 = arith.constant 0 : index
    %get3A_67 = vector.load %arg10[%get3A_65, %get3A_66] : memref<1x128xf32, #tpu.memory_space<vmem>>, vector<1x128xf32>
    %add3A_68 = vector.broadcast %get3A_67 : vector<1x128xf32> to vector<4096x128xf32>
    %add3A_69 = arith.addf %add3A_64, %add3A_68 : vector<4096x128xf32>
    %max3A_70 = arith.constant 0.000000e+00 : f32
    %max3A_71 = vector.broadcast %max3A_70 : f32 to vector<4096x128xf32>
    %max3A_72 = arith.maximumf %add3A_69, %max3A_71 : vector<4096x128xf32>
    %get3A_73 = arith.constant 0 : index
    %get3A_74 = arith.constant 0 : index
    %get3A_75 = vector.load %arg11[%get3A_73, %get3A_74] : memref<128x64xf32, #tpu.memory_space<vmem>>, vector<128x64xf32>
    %dot_general3A_76 = arith.constant dense<0.000000e+00> : vector<64x4096xf32>
    %dot_general3A_77 = tpu.matmul %get3A_75, %max3A_72, %dot_general3A_76 {dimension_numbers = #tpu.dot_dimension_numbers<[0], [1], [1], [0], [0, 1, 1, 0], [], []>, transpose_lhs_hint = false} : vector<128x64xf32>, vector<4096x128xf32>, vector<64x4096xf32> -> vector<64x4096xf32>
    %get3A_78 = arith.constant 0 : index
    %get3A_79 = arith.constant 0 : index
    %get3A_80 = vector.load %arg12[%get3A_78, %get3A_79] : memref<64x1xf32, #tpu.memory_space<vmem>>, vector<64x1xf32>
    %add3A_81 = vector.broadcast %get3A_80 : vector<64x1xf32> to vector<64x4096xf32>
    %add3A_82 = arith.addf %dot_general3A_77, %add3A_81 : vector<64x4096xf32>
    %swap3A = arith.constant 0 : index
    %swap3A_83 = arith.constant 0 : index
    %swap3A_84 = vector.load %arg13[%swap3A, %swap3A_83] : memref<64x4096xf32, #tpu.memory_space<vmem>>, vector<64x4096xf32>
    tpu.vector_store %arg13[%swap3A, %swap3A_83], %add3A_82 {strides = array<i32>} : memref<64x4096xf32, #tpu.memory_space<vmem>>, vector<64x4096xf32>,
    return
  }
  func.func @transform_0(%arg0: i32) -> (i32, i32) {
    %c0_i32 = arith.constant 0 : i32
    %c0_i32_0 = arith.constant 0 : i32
    return %arg0, %c0_i32 : i32, i32
  }
  func.func @transform_1(%arg0: i32) -> (i32, i32) {
    %c0_i32 = arith.constant 0 : i32
    %c0_i32_0 = arith.constant 0 : i32
    return %arg0, %c0_i32 : i32, i32
  }
  func.func @transform_2(%arg0: i32) -> (i32, i32) {
    %c0_i32 = arith.constant 0 : i32
    %c0_i32_0 = arith.constant 0 : i32
    return %arg0, %c0_i32 : i32, i32
  }
  func.func @transform_3(%arg0: i32) -> (i32, i32) {
    %c0_i32 = arith.constant 0 : i32
    %c0_i32_0 = arith.constant 0 : i32
    %c0_i32_1 = arith.constant 0 : i32
    return %c0_i32, %c0_i32_0 : i32, i32
  }
  func.func @transform_4(%arg0: i32) -> (i32, i32) {
    %c0_i32 = arith.constant 0 : i32
    %c0_i32_0 = arith.constant 0 : i32
    %c0_i32_1 = arith.constant 0 : i32
    return %c0_i32, %c0_i32_0 : i32, i32
  }
  func.func @transform_5(%arg0: i32) -> (i32, i32) {
    %c0_i32 = arith.constant 0 : i32
    %c0_i32_0 = arith.constant 0 : i32
    %c0_i32_1 = arith.constant 0 : i32
    return %c0_i32, %c0_i32_0 : i32, i32
  }
  func.func @transform_6(%arg0: i32) -> (i32, i32) {
    %c0_i32 = arith.constant 0 : i32
    %c0_i32_0 = arith.constant 0 : i32
    %c0_i32_1 = arith.constant 0 : i32
    return %c0_i32, %c0_i32_0 : i32, i32
  }
  func.func @transform_7(%arg0: i32) -> (i32, i32) {
    %c0_i32 = arith.constant 0 : i32
    %c0_i32_0 = arith.constant 0 : i32
    %c0_i32_1 = arith.constant 0 : i32
    return %c0_i32, %c0_i32_0 : i32, i32
  }
  func.func @transform_8(%arg0: i32) -> (i32, i32) {
    %c0_i32 = arith.constant 0 : i32
    %c0_i32_0 = arith.constant 0 : i32
    %c0_i32_1 = arith.constant 0 : i32
    return %c0_i32, %c0_i32_0 : i32, i32
  }
  func.func @transform_9(%arg0: i32) -> (i32, i32) {
    %c0_i32 = arith.constant 0 : i32
    %c0_i32_0 = arith.constant 0 : i32
    %c0_i32_1 = arith.constant 0 : i32
    return %c0_i32, %c0_i32_0 : i32, i32
  }
  func.func @transform_10(%arg0: i32) -> (i32, i32) {
    %c0_i32 = arith.constant 0 : i32
    %c0_i32_0 = arith.constant 0 : i32
    %c0_i32_1 = arith.constant 0 : i32
    return %c0_i32, %c0_i32_0 : i32, i32
  }
  func.func @transform_11(%arg0: i32) -> (i32, i32) {
    %c0_i32 = arith.constant 0 : i32
    %c0_i32_0 = arith.constant 0 : i32
    %c0_i32_1 = arith.constant 0 : i32
    return %c0_i32, %c0_i32_0 : i32, i32
  }
  func.func @transform_12(%arg0: i32) -> (i32, i32) {
    %c0_i32 = arith.constant 0 : i32
    %c0_i32_0 = arith.constant 0 : i32
    return %c0_i32, %arg0 : i32, i32
  }
}

</mosaic_0001>

<sc_bundles>
// kernel: kernel.5.cloned.1.call-start
scs
__scs_entry_jumppad:
0x0: {  	(pc) =	sbr.rel $0x88, $3  }
0x1: {  	(tag) =	ssettag $0x0;
	lr =	simm.s32 $0x1  }
0x2: {  	[smem:$0x3F96] =	sst lr;
	_ =	strace $0xD0000000  }
0x3: {  	_ = 	snop  }
0x4: {  	_ = 	snop  }
0x5: {  	_ = 	snop  }
0x6: {  	_ = 	snop  }
0x7: {  	_ = 	snop  }
__scs_overlays_trampoline_lowered:
0x8: {  	[smem:$0x3FA5] =	sst s0  }
0x9: {  	[smem:$0x3FA6] =	sst s1  }
0xa: {  	[smem:$0x3FA7] =	sst s2  }
0xb: {  	[smem:$0x3FA8] =	sst s3  }
0xc: {  	[smem:$0x3FA9] =	sst s4  }
0xd: {  	[smem:$0x3FAA] =	sst s5  }
0xe: {  	[smem:$0x3FAB] =	sst s6  }
0xf: {  	[smem:$0x3FAC] =	sst s7  }
0x10: {  	[smem:$0x3FAD] =	sst s8  }
0x11: {  	[smem:$0x3FAE] =	sst s9;
	s0 =	simm.s32 @!p0 $0x0  }
0x12: {  	s1 =	sld [smem:$0x3F94];
	s0 =	simm.s32 @p0 $0x1  }
0x13: {  	[smem:$0x3FAF] =	sst s0;
	s0 =	simm.s32 @!p1 $0x0  }
0x14: {  	s2 =	sld [smem:$0x3F93];
	s0 =	simm.s32 @p1 $0x1  }
0x15: {  	[smem:$0x3FB0] =	sst s0;
	s0 =	simm.s32 @!p2 $0x0  }
0x16: {  	s3 =	sld [smem:$0x3FDB];
	s0 =	simm.s32 @p2 $0x1  }
0x17: {  	s4 =	simm.s32 $0x1BF5;
	[smem:$0x3FB2] =	sst s0  }
0x18: {  	s0 =	sld [smem:$0x3F95];
	_ =	swait.ge [sflag:s4], $0x0  }
0x19: {  	s7 =	sld [smem:$0x3F96]  }
0x1a: {  	s8 =	sadd.s32 $0xFFFFE003, lr  }
0x1b: {  	s9 =	sadd.s32 $0xFFFFFEF7, lr;
	s5 =	simm.s32 $0xFFFFFFFF;
	p2 =	slt.u32 s8, $0xFFFFF086  }
0x1c: {  	p1 =	slt.u32 s9, $0xF7A;
	s5 =	simm.s32 @!p2 $0x0  }
0x1d: {  	s5 =	simm.s32 @p1 $0x1;
	p0 =	seq.s32 s7, s2  }
0x1e: {  	s7 =	smul.u32 @!p0 $0xF7A, s2;
	p2 =	seq.s32 @!p0 s5, $0x0  }
0x1f: {  	s9 =	smul.u32 $0xF7A, s1;
	s8 =	simm.s32 @!p0 $0x1BF5;
	p2 =	por !p2, p0  }
0x20: {  	[sflag:s8] =	ssyncset.s32 @!p0 $0xFFFFF086;
	s6 =	sadd.s32 @!p0 s3, s7;
	s7 =	simm.s32 @!p0 $0x108  }
0x21: {  	s3 =	sadd.s32 s3, s9;
	s6 =	sadd.s32 @!p0 $0x88, s6;
	s7 =	simm.s32 @p2 $0x1082  }
0x22: {  	[simem:s7], [sflag:s8] =	dma.local @!p0 [hbm:s6], $0xF7A  }
0x23: {  	s9 =	sor.u32 $0xD0000000, s2;
	s6 =	simm.s32 $0x108;
	_ =	swait.ge @!p0 [sflag:s8], $0x0  }
0x24: {  	s3 =	sadd.s32 $0x88, s3;
	s6 =	simm.s32 @!p1 $0x1082;
	[sflag:s4] =	ssyncset.s32 $0xFFFFF086  }
0x25: {  	[simem:s6], [sflag:s4] =	dma.local [hbm:s3], $0xF7A  }
0x26: {  	[smem:$0x3F96] =	sst s1;
	(tag) =	ssettag s2;
	_ =	strace s9  }
0x27: {  	s1 =	sld [smem:$0x3FA6]  }
0x28: {  	s2 =	sld [smem:$0x3FA7]  }
0x29: {  	s4 =	sld [smem:$0x3FA9]  }
0x2a: {  	p0 =	seq.s32 s5, $0x0;
	s5 =	sld [smem:$0x3FAA]  }
0x2b: {  	s6 =	sld [smem:$0x3FAB]  }
0x2c: {  	s7 =	sld [smem:$0x3FAC]  }
0x2d: {  	s3 =	simm.s32 $0x108;
	s8 =	sld [smem:$0x3FAD]  }
0x2e: {  	s3 =	simm.s32 @!p0 $0x1082;
	s9 =	sld [smem:$0x3FAE]  }
0x2f: {  	lr =	sadd.s32 s0, s3;
	s0 =	sld [smem:$0x3FA5]  }
0x30: {  	s3 =	sld [smem:$0x3FA8]  }
0x31: {  	[smem:$0x3FB1] =	sst s10  }
0x32: {  	s10 =	sld [smem:$0x3FAF];
	_ =	sdelay $0x3  }
0x33: {  	p0 =	seq.s32 s10, $0x1;
	s10 =	sld [smem:$0x3FB1];
	_ =	sdelay $0x3  }
0x34: {  	[smem:$0x3FB1] =	sst s10  }
0x35: {  	s10 =	sld [smem:$0x3FB0];
	_ =	sdelay $0x3  }
0x36: {  	p1 =	seq.s32 s10, $0x1;
	s10 =	sld [smem:$0x3FB1];
	_ =	sdelay $0x3  }
0x37: {  	[smem:$0x3FB1] =	sst s10  }
0x38: {  	s10 =	sld [smem:$0x3FB2]  }
0x39: {  	_ = 	snop;
	(pc) =	sbr.ind lr, $3  }
0x3a: {  	_ = 	snop  }
0x3b: {  	_ = 	snop  }
0x3c: {  	p2 =	seq.s32 s10, $0x1;
	s10 =	sld [smem:$0x3FB1]  }
0x3d: {  	_ =	shalt  }
0x3e: {  	_ =	shalt  }
0x3f: {  	_ =	shalt  }
0x40: {  	_ =	shalt  }
0x41: {  	_ =	shalt  }
0x42: {  	_ =	shalt  }
0x43: {  	_ =	shalt  }
0x44: {  	_ =	shalt  }
0x45: {  	_ =	shalt  }
0x46: {  	_ =	shalt  }
0x47: {  	_ =	shalt  }
0x48: {  	_ =	shalt  }
0x49: {  	_ =	shalt  }
0x4a: {  	_ =	shalt  }
0x4b: {  	_ =	shalt  }
0x4c: {  	_ =	shalt  }
0x4d: {  	_ =	shalt  }
0x4e: {  	_ =	shalt  }
0x4f: {  	_ =	shalt  }
0x50: {  	_ =	shalt  }
0x51: {  	_ =	shalt  }
0x52: {  	_ =	shalt  }
0x53: {  	_ =	shalt  }
0x54: {  	_ =	shalt  }
0x55: {  	_ =	shalt  }
0x56: {  	_ =	shalt  }
0x57: {  	_ =	shalt  }
0x58: {  	_ =	shalt  }
0x59: {  	_ =	shalt  }
0x5a: {  	_ =	shalt  }
0x5b: {  	_ =	shalt  }
0x5c: {  	_ =	shalt  }
0x5d: {  	_ =	shalt  }
0x5e: {  	_ =	shalt  }
0x5f: {  	_ =	shalt  }
0x60: {  	_ =	shalt  }
0x61: {  	_ =	shalt  }
0x62: {  	_ =	shalt  }
0x63: {  	_ =	shalt  }
0x64: {  	_ =	shalt  }
0x65: {  	_ =	shalt  }
0x66: {  	_ =	shalt  }
0x67: {  	_ =	shalt  }
0x68: {  	_ =	shalt  }
0x69: {  	_ =	shalt  }
0x6a: {  	_ =	shalt  }
0x6b: {  	_ =	shalt  }
0x6c: {  	_ =	shalt  }
0x6d: {  	_ =	shalt  }
0x6e: {  	_ =	shalt  }
0x6f: {  	_ =	shalt  }
0x70: {  	_ =	shalt  }
0x71: {  	_ =	shalt  }
0x72: {  	_ =	shalt  }
0x73: {  	_ =	shalt  }
0x74: {  	_ =	shalt  }
0x75: {  	_ =	shalt  }
0x76: {  	_ =	shalt  }
0x77: {  	_ =	shalt  }
0x78: {  	_ =	shalt  }
0x79: {  	_ =	shalt  }
0x7a: {  	_ =	shalt  }
0x7b: {  	_ =	shalt  }
0x7c: {  	_ =	shalt  }
0x7d: {  	_ =	shalt  }
0x7e: {  	_ =	shalt  }
0x7f: {  	_ =	shalt  }
0x80: {  	_ =	shalt  }
0x81: {  	_ =	shalt  }
0x82: {  	_ =	shalt  }
0x83: {  	_ =	shalt  }
0x84: {  	_ =	shalt  }
0x85: {  	_ =	shalt  }
0x86: {  	_ =	shalt  }
0x87: {  	_ =	shalt  }
.Lfunc_end0:
.L_simem_size_0:
called_computation_lowered:
.L_overlay_start_0:
0x88: {  	s2 =	sld [smem:$0x3FD9]  }
0x89: {  	s3 =	sld [smem:$0x3FFE];
	_ =	sdelay $0x1  }
0x8a: {  	s1 =	srdreg.scid  }
0x8b: {  	s0 =	sand.u32 $0x1, s1  }
0x8c: {  	s16 =	sshll.u32 s0, $0xA;
	s2 =	sadd.s32 s3, s2  }
0x8d: {  	s2 =	sadd.s32 s2, s16  }
0x8e: {  	[smem:$0x3FBD] =	sst s2  }
0x8f: {  	_ = 	snop  }
0x90: {  	(tm) =	ssettm $0x1  }
0x91: {  	s17 =	sld [smem:$0x3FFB];
	_ =	sdelay $0x3  }
0x92: {  	_ =	strace s17  }
0x93: {  	s2 =	sld [smem:$0x3FFC];
	_ =	sdelay $0x3  }
0x94: {  	_ =	strace s2  }
0x95: {  	s2 =	sld [smem:$0x3FFD];
	_ =	sdelay $0x3  }
0x96: {  	_ =	strace s2  }
0x97: {  	_ =	strace $0x8FFFFFFF  }
0x98: {  	s18 =	sld [smem:$0x3FDB];
	_ =	sdelay $0x1  }
0x99: {  	s19 =	simm.s32 $_scs_section_size  }
0x9a: {  	s4 =	simm.s32 $_size__tile_overlayer_lowered;
	s5 =	simm.s32 $_tile_overlayer_lowered  }
0x9b: {  	s22 =	simm.s32 $0x1BFF;
	s21 =	sshll.u32 s5, $0x1;
	s2 =	sadd.s32 s19, s18  }
0x9c: {  	s6 =	simm.s32 $0x0;
	s20 =	sshll.u32 s4, $0x1;
	s4 =	sadd.s32 s21, s2  }
0x9d: {  	[timem:s6], [sflag:s22] =	dma.local [hbm:s4], s20  }
0x9e: {  	_ =	swait.ge [sflag:s22], s20  }
0x9f: {  	s3 =	ssub.s32 $0x0, s20;
	[sflag:s22] =	ssyncset.done $0x0  }
0xa0: {  	[sflag:s22] =	ssyncadd.s32 s3;
	_ =	sdelay $0x1  }
0xa1: {  	s23 =	simm.s32 $0x1B8B  }
0xa2: {  	_ =	swait.ge [sflag:s23], $0x1  }
0xa3: {  	[sflag:s23] =	ssyncset.done $0x0  }
0xa4: {  	s25 =	simm.s32 $0x1B8E;
	s24 =	sld [smem:$0x3FFE];
	[sflag:s23] =	ssyncadd.s32 $0xFFFFFFFF  }
0xa5: {  	s26 =	simm.s32 $execute0_lowered;
	[smem:$0x3FD2] =	sst s25  }
0xa6: {  	s4 =	sshll.u32 s26, $0x1;
	_ =	strace $0x80000046;
	[dreg:$0x1] =	wrdreg $0xFFFFFFFF  }
0xa7: {  	s28 =	simm.s32 $_size_execute0_lowered;
	s2 =	sadd.s32 s2, s4;
	[dreg:$0x0] =	wrdreg $0x0  }
0xa8: {  	s4 =	sshll.u32 s28, $0x1;
	[dreg:$0x2] =	wrdreg s2  }
0xa9: {  	[dreg:$0x3] =	wrdreg s4  }
0xaa: {  	[dreg:$0x4] =	wrdreg $0xC0  }
0xab: {  	_ =	task [dreg:s6], $0x5FFFF  }
0xac: {  	[dreg:$0x1] =	wrdreg $0xFFFFFFFF  }
0xad: {  	[dreg:$0x0] =	wrdreg $0x60  }
0xae: {  	[dreg:$0x2] =	wrdreg s24  }
0xaf: {  	[dreg:$0x3] =	wrdreg $0x9  }
0xb0: {  	_ =	task.clear_ibuf [dreg:s6], $0x4FFFF;
	_ =	strace $0x90000046  }
0xb1: {  	s29 =	simm.s32 $0x9;
	_ =	strace $0x80000048  }
0xb2: {  	_ =	swait.ge [sflag:s29], $0x1  }
0xb3: {  	[sflag:s29] =	ssyncadd.s32 $0xFFFFFFFF  }
0xb4: {  	_ =	strace $0x90000048  }
0xb5: {  	_ =	sfence  }
0xb6: {  	s30 =	sld [smem:$0x0];
	_ =	sdelay $0x2  }
0xb7: {  	s31 =	sshll.u32 s1, $0xD;
	s1 =	sshrl.u32 s1, $0x2  }
0xb8: {  	s3 =	sand.u32 $0x4000, s31;
	s1 =	sadd.s32 s1, s30  }
0xb9: {  	s0 =	sor.u32 s3, s0;
	s1 =	sshll.u32 s1, $0x11  }
0xba: {  	s0 =	sor.u32 s1, s0  }
0xbb: {  	s0 =	sadd.s32 $0x8F2B, s0  }
0xbc: {  	[sflag:s0] =	ssyncadd.remote.s32 $0x1  }
0xbd: {  	_ =	sfence.sel $0xFFFF  }
0xbe: {  	[dreg:$0x0] =	wrdreg $0xFFFFFFFF;
	(pc) =	sbr.abs _section_cstart, $3  }
0xbf: {  	[dreg:$0x1] =	wrdreg $0xFFFFFFFF  }
0xc0: {  	_ =	task.clear_ibuf [dreg:s6], $0x2FFFF;
	_ =	strace $0x9FFFFFFF  }
0xc1: {  	(tm) =	ssettm $0x7FFFFFFF  }
tec
execute0_lowered:
.L_overlay_start_1:
0x0: {  	(tag) =	ssettag $0x1  }
0x1: {  	s1 =	srdreg.scid  }
0x2: {  	s0 =	stileid.u32;
	s6 =	sand.u32 $0x1, s1  }
0x3: {  	s8 =	rddreg [dreg:$0x0];
	s30 =	sshll.u32 s0, $0xA;
	s2 =	sshll.u32 s6, $0x9  }
0x4: {  	s7 =	simm.s32 $0x1;
	s1 =	rddreg [dreg:$0x1];
	s9 =	sor.u32 s2, s30  }
0x5: {  	s5 =	sadd.s32 $0x2E00, s8;
	s2 =	simm.s32 $0x0;
	s3 =	sshrl.u32 s9, $0x3  }
0x6: {  	s10 =	ssub.s32 $0x2, s6;
	[smem:$0x7FF] =	sst s2;
	s3 =	sadd.s32 s3, s8  }
0x7: {  	_ =	strace $0x80000047;
	s4 =	sadd.s32 $0x2600, s3;
	s3 =	simm.s32 $0x2  }
0x8: {  	[tilespmem:s2], [sflag:$0x2] =	stream.linear.gather [hbm4b:s4+s2], $0x200, $0x38;
	[tilespmem:$0x10200] =	vst v63  }
0x9: {  	s6 =	simm.s32 $0x200;
	s11 =	sshrl.u32 s10, $0x1;
	_ =	swait.ge [sflag:s3], $0x200  }
0xa: {  	s9 =	sshll.u32 s9, $0x4;
	s31 =	ssub.s32 s10, s11;
	[sflag:s3] =	ssyncset.done $0x0  }
0xb: {  	s8 =	sadd.s32 s9, s8;
	s9 =	smax.u32 s31, $0x1;
	[sflag:s3] =	ssyncadd.s32 $0xFFFFFE00  }
0xc: {  	[tilespmem:s6], [sflag:$0x1] =	stream.indirect.gather [hbm4b:s5+s6], $0x80, s2, s6, $0xb8;
	[tilespmem:$0x10200] =	vst v63  }
0xd: {  	p0 =	sne.s32 s9, $0x1;
	_ =	swait.ge [sflag:s7], $0x10000  }
.Ltmp0:
0xe: {  	[sflag:s7] =	ssyncset.done $0x0;
	(pc) =	sbr.rel @!p0 .LBB2_2-.Ltmp0, $4  }
0xf: {  	s8 =	sadd.s32 $0x3E2E00, s8;
	[sflag:s7] =	ssyncadd.s32 $0xFFFF0000  }
0x10: {  	[hbm4b:s8+s2] =	stream.linear.scatter [tilespmem:s6], [sflag:$0x2], $0x10000, $0x38;
	[tilespmem:$0x10200] =	vst v63  }
0x11: {  	_ =	swait.ge [sflag:s3], $0x10000  }
0x12: {  	s9 =	sadd.s32 $0xFFFFFFFF, s9;
	[sflag:s3] =	ssyncset.done $0x0  }
.LBB2_1:
0x13: {  	p0 =	sne.s32 s9, $0x1;
	s9 =	sadd.s32 $0xFFFFFFFF, s9;
	[sflag:s3] =	ssyncadd.s32 $0xFFFF0000  }
0x14: {  	[tilespmem:s2], [sflag:$0x2] =	stream.linear.gather [hbm4b:s4+s2], $0x200, $0x38;
	[tilespmem:$0x10200] =	vst v63  }
0x15: {  	_ =	swait.ge [sflag:s3], $0x200  }
0x16: {  	[sflag:s3] =	ssyncset.done $0x0  }
0x17: {  	[sflag:s3] =	ssyncadd.s32 $0xFFFFFE00  }
0x18: {  	[tilespmem:s6], [sflag:$0x1] =	stream.indirect.gather [hbm4b:s5+s6], $0x80, s2, s6, $0xb8;
	[tilespmem:$0x10200] =	vst v63  }
0x19: {  	_ =	swait.ge [sflag:s7], $0x10000  }
.Ltmp1:
0x1a: {  	[sflag:s7] =	ssyncset.done $0x0;
	(pc) =	sbr.rel @p0 .LBB2_1-.Ltmp1, $4  }
0x1b: {  	[sflag:s7] =	ssyncadd.s32 $0xFFFF0000  }
0x1c: {  	[hbm4b:s8+s2] =	stream.linear.scatter [tilespmem:s6], [sflag:$0x2], $0x10000, $0x38;
	[tilespmem:$0x10200] =	vst v63  }
0x1d: {  	_ =	swait.ge [sflag:s3], $0x10000  }
0x1e: {  	[sflag:s3] =	ssyncset.done $0x0  }
.LBB2_2:
0x1f: {  	[sflag:s3] =	ssyncadd.s32 $0xFFFF0000  }
0x20: {  	_ =	sfence.sel $0x180000  }
0x21: {  	[bflag:$0x0] =	sbarrier.arrive $0xFFFF  }
0x22: {  	p0 =	sne.s32 s0, $0x0;
	_ =	strace $0x90000047  }
0x23: {  	s0 =	sadd.s32 @!p0 $0x100000, s1;
	[bflag:$0x2] =	sbarrier.arrive $0xFFFF  }
0x24: {  	[sflag:s0] =	ssyncadd.tile.s32 @!p0 $0x1;
	_ =	shalt  }
.Lfunc_end2:
_tile_overlayer_lowered:
.L_overlay_start_2:
0x25: {  	(tag) =	ssettag $0x2  }
0x26: {  	s0 =	rddreg [dreg:$0x0];
	s2 =	stileid.u32  }
0x27: {  	s1 =	rddreg [dreg:$0x1];
	p0 =	sne.s32 s2, $0x0  }
0x28: {  	s3 =	rddreg [dreg:$0x2];
	[bflag:$0x3] =	sbarrier.arrive $0xFFFF;
	s2 =	simm.s32 @!p0 $0x1C02  }
0x29: {  	[timem:s3], [sflag:s2] =	dma.local @!p0 [hbm:s0], s1  }
0x2a: {  	s0 =	simm.s32 @!p0 $0x2  }
0x2b: {  	_ =	swait.ge @!p0 [sflag:s0], s1  }
0x2c: {  	s1 =	ssub.s32 @!p0 $0x0, s1;
	[sflag:s0] =	ssyncset.done @!p0 $0x0  }
0x2d: {  	[sflag:s0] =	ssyncadd.s32 @!p0 s1  }
0x2e: {  	[bflag:$0x3] =	sbarrier.arrive $0xFFFF  }
0x2f: {  	_ =	shalt  }

</sc_bundles>
